<compile_context>
chip_gen: v7x
topology: tpu7x:2x2x1
jax: 0.10.2.dev20260603
libtpu: 0.0.44.dev20260713+nightly
codegen_flags: <defaults>
</compile_context>

<pallas_src>
import functools

import jax
import jax.numpy as jnp
from jax.experimental import pallas as pl
from jax.experimental.pallas import tpu as pltpu
from jax.experimental.pallas import tpu_sc as plsc

_DELTA = 0.001
_K = 50
_KPAD = 56
_N = 100000
_C = 512
_V = 256
_BLK = 4096
_NBLK = (_N + _BLK - 1) // _BLK


def _tc_body(key_ref, keys_ref, idx_ref, wrow_ref, tot_ref, w_s, flat_s):
    b = pl.program_id(0)

    kblk = keys_ref[...]
    q = key_ref[...]
    diff = kblk - q
    d = jnp.sum(diff * diff, axis=1)
    d2 = d.reshape(1, _BLK)
    w2 = 1.0 / (d2 + _DELTA)
    lio = jax.lax.broadcasted_iota(jnp.int32, (1, _BLK), 1)
    valid = (lio + b * _BLK) < _N
    w2 = jnp.where(valid, w2, -1.0)
    w_s[pl.ds(b, 1), :] = w2
    flat_s[pl.ds(b, 1), :] = lio + b * _BLK

    @pl.when(b == 0)
    def _init():
        tot_ref[...] = jnp.zeros_like(tot_ref)

    tot_ref[...] += jnp.sum(jnp.maximum(w2, 0.0), axis=1, keepdims=True)

    @pl.when(b == _NBLK - 1)
    def _select():
        idx_ref[...] = jnp.zeros((_KPAD, 1), jnp.int32)
        wrow_ref[...] = jnp.zeros((_KPAD, 16), jnp.float32)
        invt11 = 1.0 / tot_ref[...]
        m0 = jnp.max(w_s[...], axis=(0, 1), keepdims=True)

        def body(i, m11):
            w = w_s[...]
            flat = flat_s[...]
            big = jnp.int32(_NBLK * _BLK)
            sel11 = jnp.min(jnp.where(w == m11, flat, big),
                            axis=(0, 1), keepdims=True)
            idx_ref[pl.ds(i, 1), :] = sel11
            wrow_ref[pl.ds(i, 1), :] = jnp.broadcast_to(
                m11 * invt11, (1, 16))
            w_new = jnp.where(flat == sel11, -1.0, w)
            w_s[...] = w_new
            return jnp.max(w_new, axis=(0, 1), keepdims=True)

        jax.lax.fori_loop(0, _K, body, m0)


def _tc_topk(key2, keys):
    return pl.pallas_call(
        _tc_body,
        grid=(_NBLK,),
        in_specs=[
            pl.BlockSpec((1, _C), lambda b: (0, 0)),
            pl.BlockSpec((_BLK, _C), lambda b: (b, 0)),
        ],
        out_specs=[
            pl.BlockSpec((_KPAD, 1), lambda b: (0, 0)),
            pl.BlockSpec((_KPAD, 16), lambda b: (0, 0)),
        ],
        out_shape=[
            jax.ShapeDtypeStruct((_KPAD, 1), jnp.int32),
            jax.ShapeDtypeStruct((_KPAD, 16), jnp.float32),
        ],
        scratch_shapes=[
            pltpu.VMEM((1, 1), jnp.float32),
            pltpu.VMEM((_NBLK, _BLK), jnp.float32),
            pltpu.VMEM((_NBLK, _BLK), jnp.int32),
        ],
        compiler_params=pltpu.CompilerParams(
            dimension_semantics=("arbitrary",),
        ),
    )(key2, keys)


def _sc_gather_sum(values, idx, wrow):
    mesh = plsc.VectorSubcoreMesh(core_axis_name="c", subcore_axis_name="s",
                                  num_cores=1)

    @functools.partial(
        pl.kernel,
        out_type=jax.ShapeDtypeStruct((1, _V), jnp.float32),
        mesh=mesh,
        scratch_types=[
            pltpu.VMEM((_KPAD,), jnp.int32),
            pltpu.VMEM((_KPAD, _V), jnp.float32),
            pltpu.VMEM((_KPAD, 16), jnp.float32),
            pltpu.VMEM((16,), jnp.float32),
            pltpu.SemaphoreType.DMA,
            pltpu.SemaphoreType.DMA,
        ],
    )
    def sc_kernel(values_hbm, idx_hbm, w_hbm, out_hbm,
                  idx_v, rows_v, w_v, acc_v, sem, sem2):
        cid = jax.lax.axis_index("c")
        sid = jax.lax.axis_index("s")

        @pl.when(cid == 0)
        def _():
            base = sid * 16
            wcopy = pltpu.async_copy(w_hbm, w_v, sem2)
            pltpu.sync_copy(idx_hbm, idx_v)
            pltpu.async_copy(values_hbm.at[idx_v], rows_v, sem).wait()
            wcopy.wait()
            acc_v[...] = jnp.zeros((16,), jnp.float32)

            @pl.loop(0, _KPAD)
            def _(j):
                acc_v[...] += rows_v[j, pl.ds(base, 16)] * w_v[j, :]

            pltpu.sync_copy(acc_v, out_hbm.at[0, pl.ds(base, 16)])

    return sc_kernel(values, idx, wrow)


def kernel(key, keys, values):
    idx, wrow = _tc_topk(key.reshape(1, _C), keys)
    return _sc_gather_sum(values, idx.reshape(_KPAD), wrow)

# --- scband reference (transcript-rebuilt; emitter-appended) ---
"""Pipeline reference for scband-circular-dnd-57226144252001 (READ-ONLY COPY).

The authoritative reference and input builder live on the scoring server;
editing this copy changes nothing except your own understanding.
"""

import jax, jax.numpy as jnp
import numpy as np

DELTA = 0.001
QUERY_WIDTH = 50
MAX_LEN = 100000
NB_KEY_CHAN = 512
NB_V_CHAN = 256


def setup_inputs(seed: int = 0) -> dict:
    key = jax.random.key(seed)
    k1, k2, k3 = jax.random.split(key, 3)
    return {
        "key": jax.random.normal(k1, (NB_KEY_CHAN,), dtype=jnp.float32),
        "keys": jax.random.normal(k2, (MAX_LEN, NB_KEY_CHAN), dtype=jnp.float32) * 0.1,
        "values": jax.random.normal(k3, (MAX_LEN, NB_V_CHAN), dtype=jnp.float32) * 0.1,
    }


def reference(key, keys, values):
    # _kernel: inverse squared-distance kernel over all memory slots
    lookup_weights = 1.0 / (jnp.sum(jnp.square(key - keys), axis=1) + DELTA)  # [MAX_LEN]
    # _k_nearest: top-k slots by kernel weight
    top_ks, top_k_inds = jax.lax.top_k(lookup_weights, QUERY_WIDTH)
    weights = (top_ks / jnp.sum(lookup_weights))[:, None]  # [k, 1]
    # weighted sum of gathered values, keepdim over batch axis
    out = jnp.sum(values[top_k_inds, :] * weights, axis=0, keepdims=True)  # [1, NB_V_CHAN]
    return out

if __name__ == "__main__":
    import jax
    _d = setup_inputs()
    print(jax.jit(kernel)(*tuple(_d.values())))

</pallas_src>

<mosaic_0001>
#map = affine_map<(d0, d1) -> (0, 0)>
#map1 = affine_map<(d0, d1) -> (0)>
module attributes {stable_mosaic.version = 14 : i64} {
  func.func @sc_kernel(%arg0: i32, %arg1: i32, %arg2: memref<100000x256xf32, #tpu.memory_space<hbm>>, %arg3: memref<56xi32, #tpu.memory_space<hbm>>, %arg4: memref<56x16xf32, #tpu.memory_space<hbm>>, %arg5: memref<1x256xf32, #tpu.memory_space<hbm>>, %arg6: memref<56xi32, #tpu.memory_space<vmem>>, %arg7: memref<56x256xf32, #tpu.memory_space<vmem>>, %arg8: memref<56x16xf32, #tpu.memory_space<vmem>>, %arg9: memref<16xf32, #tpu.memory_space<vmem>>, %arg10: memref<!tpu.dma_semaphore, #tpu.memory_space<semaphore_mem>>, %arg11: memref<!tpu.dma_semaphore, #tpu.memory_space<semaphore_mem>>) attributes {dimension_semantics = [#tpu.dimension_semantics<core_parallel>, #tpu.dimension_semantics<subcore_parallel>], iteration_bounds = array<i64: 1, 16>, scalar_prefetch = 0 : i64, scratch_operands = 6 : i64, tpu.core_type = #tpu.core_type<sc_vector_subcore>, window_params = [{transform_indices = #map}, {transform_indices = #map1}, {transform_indices = #map}, {transform_indices = #map}]} {
    %eq3A = arith.constant 0 : i32
    %eq3A_0 = arith.cmpi eq, %arg0, %eq3A : i32
    %convert_element_type3A = arith.extui %eq3A_0 : i1 to i32
    %cond3A = arith.constant 0 : i32
    %cond3A_1 = arith.cmpi ne, %convert_element_type3A, %cond3A : i32
    scf.if %cond3A_1 {
      %mul3A = arith.constant 16 : i32
      %mul3A_2 = arith.muli %arg1, %mul3A : i32
      tpu.enqueue_dma source(%arg4 : memref<56x16xf32, #tpu.memory_space<hbm>>) target(%arg8 : memref<56x16xf32, #tpu.memory_space<vmem>>) target_semaphore(%arg11 : memref<!tpu.dma_semaphore, #tpu.memory_space<semaphore_mem>>)
      "tpu.region"() ({
        %run_scoped3A_15 = tpu.sem_alloc : memref<!tpu.dma_semaphore, #tpu.memory_space<semaphore_mem>>
        tpu.enqueue_dma source(%arg3 : memref<56xi32, #tpu.memory_space<hbm>>) target(%arg6 : memref<56xi32, #tpu.memory_space<vmem>>) target_semaphore(%run_scoped3A_15 : memref<!tpu.dma_semaphore, #tpu.memory_space<semaphore_mem>>)
        tpu.wait_dma2 semaphore(%run_scoped3A_15 : memref<!tpu.dma_semaphore, #tpu.memory_space<semaphore_mem>>) src(%arg3 : memref<56xi32, #tpu.memory_space<hbm>>) dst(%arg6 : memref<56xi32, #tpu.memory_space<vmem>>)
        tpu.yield
      }) : () -> ()
      %dma_start3A = arith.constant 0 : i32
      %dma_start3A_3 = arith.constant 0 : i32
      %dma_start3A_4 = tpu.memref_slice %arg2[%dma_start3A, %dma_start3A_3] : memref<100000x256xf32, #tpu.memory_space<hbm>> -> memref<100000x256xf32, #tpu.memory_space<hbm>>
      tpu.enqueue_indirect_dma source(%dma_start3A_4 : memref<100000x256xf32, #tpu.memory_space<hbm>>) target(%arg7 : memref<56x256xf32, #tpu.memory_space<vmem>>) offsets(%arg6 : memref<56xi32, #tpu.memory_space<vmem>>) semaphore(%arg10 : memref<!tpu.dma_semaphore, #tpu.memory_space<semaphore_mem>>)
      %dma_wait3A = arith.constant 0 : i32
      %dma_wait3A_5 = arith.constant 0 : i32
      %dma_wait3A_6 = tpu.memref_slice %arg2[%dma_wait3A, %dma_wait3A_5] : memref<100000x256xf32, #tpu.memory_space<hbm>> -> memref<100000x256xf32, #tpu.memory_space<hbm>>
      tpu.wait_indirect_dma semaphore(%arg10 : memref<!tpu.dma_semaphore, #tpu.memory_space<semaphore_mem>>) src(%dma_wait3A_6 : memref<100000x256xf32, #tpu.memory_space<hbm>>) dst(%arg7 : memref<56x256xf32, #tpu.memory_space<vmem>>)
      tpu.wait_dma2 semaphore(%arg11 : memref<!tpu.dma_semaphore, #tpu.memory_space<semaphore_mem>>) src(%arg4 : memref<56x16xf32, #tpu.memory_space<hbm>>) dst(%arg8 : memref<56x16xf32, #tpu.memory_space<vmem>>)
      %broadcast_in_dim3A = arith.constant 0.000000e+00 : f32
      %broadcast_in_dim3A_7 = vector.broadcast %broadcast_in_dim3A : f32 to vector<16xf32>
      %swap3A = arith.constant 0 : index
      %swap3A_8 = tpu.vector_load %arg9[%swap3A] {strides = array<i32>} : memref<16xf32, #tpu.memory_space<vmem>>, vector<16xf32>,
      %swap3A_9 = vector.shape_cast %swap3A_8 : vector<16xf32> to vector<16xf32>
      %swap3A_10 = vector.shape_cast %broadcast_in_dim3A_7 : vector<16xf32> to vector<16xf32>
      tpu.vector_store %arg9[%swap3A], %swap3A_10 {strides = array<i32>} : memref<16xf32, #tpu.memory_space<vmem>>, vector<16xf32>,
      %scan3A = arith.constant 0 : i32
      %scan3A_11 = arith.constant 56 : i32
      %scan3A_12 = arith.addi %scan3A, %scan3A_11 : i32
      %scan3A_13 = arith.constant 1 : i32
      scf.for %scan3A_15 = %scan3A to %scan3A_12 step %scan3A_13  : i32 {
        %mul3A_16 = arith.constant 1 : i32
        %mul3A_17 = arith.muli %scan3A_15, %mul3A_16 : i32
        %add3A = arith.constant 0 : i32
        %add3A_18 = arith.addi %add3A, %mul3A_17 : i32
        %get3A = arith.constant 0 : index
        %get3A_19 = tpu.vector_load %arg9[%get3A] {strides = array<i32>} : memref<16xf32, #tpu.memory_space<vmem>>, vector<16xf32>,
        %get3A_20 = vector.shape_cast %get3A_19 : vector<16xf32> to vector<16xf32>
        %get3A_21 = arith.index_cast %add3A_18 : i32 to index
        %get3A_22 = arith.index_cast %mul3A_2 : i32 to index
        %get3A_23 = tpu.vector_load %arg7[%get3A_21, %get3A_22] {strides = array<i32>} : memref<56x256xf32, #tpu.memory_space<vmem>>, vector<1x16xf32>,
        %get3A_24 = vector.shape_cast %get3A_23 : vector<1x16xf32> to vector<16xf32>
        %get3A_25 = arith.index_cast %add3A_18 : i32 to index
        %get3A_26 = arith.constant 0 : index
        %get3A_27 = tpu.vector_load %arg8[%get3A_25, %get3A_26] {strides = array<i32>} : memref<56x16xf32, #tpu.memory_space<vmem>>, vector<1x16xf32>,
        %get3A_28 = vector.shape_cast %get3A_27 : vector<1x16xf32> to vector<16xf32>
        %mul3A_29 = arith.mulf %get3A_24, %get3A_28 : vector<16xf32>
        %add3A_30 = arith.addf %get3A_20, %mul3A_29 : vector<16xf32>
        %swap3A_31 = arith.constant 0 : index
        %swap3A_32 = tpu.vector_load %arg9[%swap3A_31] {strides = array<i32>} : memref<16xf32, #tpu.memory_space<vmem>>, vector<16xf32>,
        %swap3A_33 = vector.shape_cast %swap3A_32 : vector<16xf32> to vector<16xf32>
        %swap3A_34 = vector.shape_cast %add3A_30 : vector<16xf32> to vector<16xf32>
        tpu.vector_store %arg9[%swap3A_31], %swap3A_34 {strides = array<i32>} : memref<16xf32, #tpu.memory_space<vmem>>, vector<16xf32>,
      }
      %scan3A_14 = arith.constant 56 : i32
      %run_scoped3A = arith.constant 0 : i32
      "tpu.region"() ({
        %run_scoped3A_15 = tpu.sem_alloc : memref<!tpu.dma_semaphore, #tpu.memory_space<semaphore_mem>>
        %dma_start3A_16 = tpu.memref_slice %arg5[%run_scoped3A, %mul3A_2] : memref<1x256xf32, #tpu.memory_space<hbm>> -> memref<1x16xf32, #tpu.memory_space<hbm>>
        %dma_start3A_17 = tpu.memref_squeeze %dma_start3A_16 : memref<1x16xf32, #tpu.memory_space<hbm>> -> memref<16xf32, #tpu.memory_space<hbm>>
        %dma_start3A_18 = tpu.memref_slice %arg5[%run_scoped3A, %mul3A_2] : memref<1x256xf32, #tpu.memory_space<hbm>> -> memref<1x16xf32, #tpu.memory_space<hbm>>
        %dma_start3A_19 = tpu.memref_squeeze %dma_start3A_18 : memref<1x16xf32, #tpu.memory_space<hbm>> -> memref<16xf32, #tpu.memory_space<hbm>>
        tpu.enqueue_dma source(%arg9 : memref<16xf32, #tpu.memory_space<vmem>>) target(%dma_start3A_19 : memref<16xf32, #tpu.memory_space<hbm>>) target_semaphore(%run_scoped3A_15 : memref<!tpu.dma_semaphore, #tpu.memory_space<semaphore_mem>>)
        %dma_wait3A_20 = tpu.memref_slice %arg5[%run_scoped3A, %mul3A_2] : memref<1x256xf32, #tpu.memory_space<hbm>> -> memref<1x16xf32, #tpu.memory_space<hbm>>
        %dma_wait3A_21 = tpu.memref_squeeze %dma_wait3A_20 : memref<1x16xf32, #tpu.memory_space<hbm>> -> memref<16xf32, #tpu.memory_space<hbm>>
        %dma_wait3A_22 = tpu.memref_slice %arg5[%run_scoped3A, %mul3A_2] : memref<1x256xf32, #tpu.memory_space<hbm>> -> memref<1x16xf32, #tpu.memory_space<hbm>>
        %dma_wait3A_23 = tpu.memref_squeeze %dma_wait3A_22 : memref<1x16xf32, #tpu.memory_space<hbm>> -> memref<16xf32, #tpu.memory_space<hbm>>
        tpu.wait_dma2 semaphore(%run_scoped3A_15 : memref<!tpu.dma_semaphore, #tpu.memory_space<semaphore_mem>>) src(%arg9 : memref<16xf32, #tpu.memory_space<vmem>>) dst(%dma_wait3A_23 : memref<16xf32, #tpu.memory_space<hbm>>)
        tpu.yield
      }) : () -> ()
    } else {
    }
    return
  }
}

module attributes {stable_mosaic.version = 14 : i64} {
  func.func @_tc_body(%arg0: i32, %arg1: memref<1x512xf32, #tpu.memory_space<vmem>>, %arg2: memref<4096x512xf32, #tpu.memory_space<vmem>>, %arg3: memref<56x1xi32, #tpu.memory_space<vmem>>, %arg4: memref<56x16xf32, #tpu.memory_space<vmem>>, %arg5: memref<1x1xf32, #tpu.memory_space<vmem>>, %arg6: memref<25x4096xf32, #tpu.memory_space<vmem>>, %arg7: memref<25x4096xi32, #tpu.memory_space<vmem>>) attributes {dimension_semantics = [#tpu.dimension_semantics<arbitrary>], iteration_bounds = array<i64: 25>, scalar_prefetch = 0 : i64, scratch_operands = 3 : i64, tpu.core_type = #tpu.core_type<tc>, window_params = [{pipeline_mode = #tpu.pipeline_mode<synchronous>, transform_indices = @transform_0, window_bounds = array<i64: 1, 512>}, {transform_indices = @transform_1, window_bounds = array<i64: 4096, 512>}, {pipeline_mode = #tpu.pipeline_mode<synchronous>, transform_indices = @transform_2, window_bounds = array<i64: 56, 1>}, {pipeline_mode = #tpu.pipeline_mode<synchronous>, transform_indices = @transform_3, window_bounds = array<i64: 56, 16>}]} {
    %get3A = arith.constant 0 : index
    %get3A_0 = arith.constant 0 : index
    %get3A_1 = vector.load %arg2[%get3A, %get3A_0] : memref<4096x512xf32, #tpu.memory_space<vmem>>, vector<4096x512xf32>
    %get3A_2 = arith.constant 0 : index
    %get3A_3 = arith.constant 0 : index
    %get3A_4 = vector.load %arg1[%get3A_2, %get3A_3] : memref<1x512xf32, #tpu.memory_space<vmem>>, vector<1x512xf32>
    %sub3A = vector.broadcast %get3A_4 : vector<1x512xf32> to vector<4096x512xf32>
    %sub3A_5 = arith.subf %get3A_1, %sub3A : vector<4096x512xf32>
    %mul3A = arith.mulf %sub3A_5, %sub3A_5 : vector<4096x512xf32>
    %reduce_sum3A = arith.constant dense<0.000000e+00> : vector<4096xf32>
    %reduce_sum3A_6 = vector.multi_reduction <add>, %mul3A, %reduce_sum3A [1] : vector<4096x512xf32> to vector<4096xf32>
    %reshape3A = vector.shape_cast %reduce_sum3A_6 : vector<4096xf32> to vector<1x4096xf32>
    %add3A = arith.constant 1.000000e-03 : f32
    %add3A_7 = vector.broadcast %add3A : f32 to vector<1x4096xf32>
    %add3A_8 = arith.addf %reshape3A, %add3A_7 : vector<1x4096xf32>
    %div3A = arith.constant 1.000000e+00 : f32
    %div3A_9 = vector.broadcast %div3A : f32 to vector<1x4096xf32>
    %div3A_10 = arith.divf %div3A_9, %add3A_8 : vector<1x4096xf32>
    %iota3A = tpu.iota {dimensions = array<i32: 1>} : vector<1x4096xi32>
    %mul3A_11 = arith.constant 4096 : i32
    %mul3A_12 = arith.muli %arg0, %mul3A_11 : i32
    %add3A_13 = vector.broadcast %mul3A_12 : i32 to vector<1x4096xi32>
    %add3A_14 = arith.addi %iota3A, %add3A_13 : vector<1x4096xi32>
    %lt3A = arith.constant 100000 : i32
    %lt3A_15 = vector.broadcast %lt3A : i32 to vector<1x4096xi32>
    %lt3A_16 = arith.cmpi slt, %add3A_14, %lt3A_15 : vector<1x4096xi32>
    %jit3A = arith.constant -1.000000e+00 : f32
    %broadcast_in_dim3A = vector.broadcast %jit3A : f32 to vector<1x4096xf32>
    %select_n3A = arith.select %lt3A_16, %div3A_10, %broadcast_in_dim3A : vector<1x4096xi1>, vector<1x4096xf32>
    %swap3A = arith.index_cast %arg0 : i32 to index
    %swap3A_17 = arith.constant 0 : index
    %swap3A_18 = vector.load %arg6[%swap3A, %swap3A_17] : memref<25x4096xf32, #tpu.memory_space<vmem>>, vector<1x4096xf32>
    tpu.vector_store %arg6[%swap3A, %swap3A_17], %select_n3A {strides = array<i32>} : memref<25x4096xf32, #tpu.memory_space<vmem>>, vector<1x4096xf32>,
    %mul3A_19 = arith.constant 4096 : i32
    %mul3A_20 = arith.muli %arg0, %mul3A_19 : i32
    %add3A_21 = vector.broadcast %mul3A_20 : i32 to vector<1x4096xi32>
    %add3A_22 = arith.addi %iota3A, %add3A_21 : vector<1x4096xi32>
    %swap3A_23 = arith.index_cast %arg0 : i32 to index
    %swap3A_24 = arith.constant 0 : index
    %swap3A_25 = vector.load %arg7[%swap3A_23, %swap3A_24] : memref<25x4096xi32, #tpu.memory_space<vmem>>, vector<1x4096xi32>
    tpu.vector_store %arg7[%swap3A_23, %swap3A_24], %add3A_22 {strides = array<i32>} : memref<25x4096xi32, #tpu.memory_space<vmem>>, vector<1x4096xi32>,
    %eq3A = arith.constant 0 : i32
    %eq3A_26 = arith.cmpi eq, %arg0, %eq3A : i32
    %convert_element_type3A = arith.extui %eq3A_26 : i1 to i32
    %cond3A = arith.constant 0 : i32
    %cond3A_27 = arith.cmpi ne, %convert_element_type3A, %cond3A : i32
    scf.if %cond3A_27 {
      %broadcast_in_dim3A_45 = arith.constant 0.000000e+00 : f32
      %broadcast_in_dim3A_46 = vector.broadcast %broadcast_in_dim3A_45 : f32 to vector<1x1xf32>
      %swap3A_47 = arith.constant 0 : index
      %swap3A_48 = arith.constant 0 : index
      %swap3A_49 = vector.load %arg5[%swap3A_47, %swap3A_48] : memref<1x1xf32, #tpu.memory_space<vmem>>, vector<1x1xf32>
      tpu.vector_store %arg5[%swap3A_47, %swap3A_48], %broadcast_in_dim3A_46 {strides = array<i32>} : memref<1x1xf32, #tpu.memory_space<vmem>>, vector<1x1xf32>,
    } else {
    }
    %get3A_28 = arith.constant 0 : index
    %get3A_29 = arith.constant 0 : index
    %get3A_30 = vector.load %arg5[%get3A_28, %get3A_29] : memref<1x1xf32, #tpu.memory_space<vmem>>, vector<1x1xf32>
    %max3A = arith.constant 0.000000e+00 : f32
    %max3A_31 = vector.broadcast %max3A : f32 to vector<1x4096xf32>
    %max3A_32 = arith.maximumf %select_n3A, %max3A_31 : vector<1x4096xf32>
    %reduce_sum3A_33 = arith.constant dense<0.000000e+00> : vector<1xf32>
    %reduce_sum3A_34 = vector.multi_reduction <add>, %max3A_32, %reduce_sum3A_33 [1] : vector<1x4096xf32> to vector<1xf32>
    %broadcast_in_dim3A_35 = vector.shape_cast %reduce_sum3A_34 : vector<1xf32> to vector<1x1xf32>
    %add3A_36 = arith.addf %get3A_30, %broadcast_in_dim3A_35 : vector<1x1xf32>
    %swap3A_37 = arith.constant 0 : index
    %swap3A_38 = arith.constant 0 : index
    %swap3A_39 = vector.load %arg5[%swap3A_37, %swap3A_38] : memref<1x1xf32, #tpu.memory_space<vmem>>, vector<1x1xf32>
    tpu.vector_store %arg5[%swap3A_37, %swap3A_38], %add3A_36 {strides = array<i32>} : memref<1x1xf32, #tpu.memory_space<vmem>>, vector<1x1xf32>,
    %eq3A_40 = arith.constant 24 : i32
    %eq3A_41 = arith.cmpi eq, %arg0, %eq3A_40 : i32
    %convert_element_type3A_42 = arith.extui %eq3A_41 : i1 to i32
    %cond3A_43 = arith.constant 0 : i32
    %cond3A_44 = arith.cmpi ne, %convert_element_type3A_42, %cond3A_43 : i32
    scf.if %cond3A_44 {
      %broadcast_in_dim3A_45 = arith.constant 0 : i32
      %broadcast_in_dim3A_46 = vector.broadcast %broadcast_in_dim3A_45 : i32 to vector<56x1xi32>
      %swap3A_47 = arith.constant 0 : index
      %swap3A_48 = arith.constant 0 : index
      %swap3A_49 = vector.load %arg3[%swap3A_47, %swap3A_48] : memref<56x1xi32, #tpu.memory_space<vmem>>, vector<56x1xi32>
      tpu.vector_store %arg3[%swap3A_47, %swap3A_48], %broadcast_in_dim3A_46 {strides = array<i32>} : memref<56x1xi32, #tpu.memory_space<vmem>>, vector<56x1xi32>,
      %broadcast_in_dim3A_50 = arith.constant 0.000000e+00 : f32
      %broadcast_in_dim3A_51 = vector.broadcast %broadcast_in_dim3A_50 : f32 to vector<56x16xf32>
      %swap3A_52 = arith.constant 0 : index
      %swap3A_53 = arith.constant 0 : index
      %swap3A_54 = vector.load %arg4[%swap3A_52, %swap3A_53] : memref<56x16xf32, #tpu.memory_space<vmem>>, vector<56x16xf32>
      tpu.vector_store %arg4[%swap3A_52, %swap3A_53], %broadcast_in_dim3A_51 {strides = array<i32>} : memref<56x16xf32, #tpu.memory_space<vmem>>, vector<56x16xf32>,
      %get3A_55 = arith.constant 0 : index
      %get3A_56 = arith.constant 0 : index
      %get3A_57 = vector.load %arg5[%get3A_55, %get3A_56] : memref<1x1xf32, #tpu.memory_space<vmem>>, vector<1x1xf32>
      %div3A_58 = arith.constant 1.000000e+00 : f32
      %div3A_59 = vector.broadcast %div3A_58 : f32 to vector<1x1xf32>
      %div3A_60 = arith.divf %div3A_59, %get3A_57 : vector<1x1xf32>
      %get3A_61 = arith.constant 0 : index
      %get3A_62 = arith.constant 0 : index
      %get3A_63 = vector.load %arg6[%get3A_61, %get3A_62] : memref<25x4096xf32, #tpu.memory_space<vmem>>, vector<25x4096xf32>
      %reduce_max3A = vector.shape_cast %get3A_63 : vector<25x4096xf32> to vector<1x25x4096xf32>
      %reduce_max3A_64 = arith.constant dense<0xFF800000> : vector<1xf32>
      %reduce_max3A_65 = vector.multi_reduction <maximumf>, %reduce_max3A, %reduce_max3A_64 [1, 2] : vector<1x25x4096xf32> to vector<1xf32>
      %reduce_max3A_66 = vector.shape_cast %reduce_max3A_65 : vector<1xf32> to vector<1x1x1xf32>
      %reduce_max3A_67 = vector.extract %reduce_max3A_66[0, 0, 0] : f32 from vector<1x1x1xf32>
      %broadcast_in_dim3A_68 = vector.broadcast %reduce_max3A_67 : f32 to vector<1x1xf32>
      %scan3A = arith.constant 0 : i32
      %scan3A_69 = arith.constant 50 : i32
      %scan3A_70 = arith.addi %scan3A, %scan3A_69 : i32
      %scan3A_71 = arith.constant 1 : i32
      %scan3A_72 = scf.for %scan3A_74 = %scan3A to %scan3A_70 step %scan3A_71 iter_args(%scan3A_75 = %broadcast_in_dim3A_68) -> (vector<1x1xf32>)  : i32 {
        %get3A_76 = arith.constant 0 : index
        %get3A_77 = arith.constant 0 : index
        %get3A_78 = vector.load %arg6[%get3A_76, %get3A_77] : memref<25x4096xf32, #tpu.memory_space<vmem>>, vector<25x4096xf32>
        %get3A_79 = arith.constant 0 : index
        %get3A_80 = arith.constant 0 : index
        %get3A_81 = vector.load %arg7[%get3A_79, %get3A_80] : memref<25x4096xi32, #tpu.memory_space<vmem>>, vector<25x4096xi32>
        %eq3A_82 = vector.broadcast %scan3A_75 : vector<1x1xf32> to vector<25x4096xf32>
        %eq3A_83 = arith.cmpf oeq, %get3A_78, %eq3A_82 : vector<25x4096xf32>
        %jit3A_84 = arith.constant 102400 : i32
        %broadcast_in_dim3A_85 = vector.broadcast %jit3A_84 : i32 to vector<25x4096xi32>
        %select_n3A_86 = arith.select %eq3A_83, %get3A_81, %broadcast_in_dim3A_85 : vector<25x4096xi1>, vector<25x4096xi32>
        %reduce_min3A = vector.shape_cast %select_n3A_86 : vector<25x4096xi32> to vector<1x25x4096xi32>
        %reduce_min3A_87 = arith.constant dense<2147483647> : vector<1xi32>
        %reduce_min3A_88 = vector.multi_reduction <minsi>, %reduce_min3A, %reduce_min3A_87 [1, 2] : vector<1x25x4096xi32> to vector<1xi32>
        %reduce_min3A_89 = vector.shape_cast %reduce_min3A_88 : vector<1xi32> to vector<1x1x1xi32>
        %reduce_min3A_90 = vector.extract %reduce_min3A_89[0, 0, 0] : i32 from vector<1x1x1xi32>
        %broadcast_in_dim3A_91 = vector.broadcast %reduce_min3A_90 : i32 to vector<1x1xi32>
        %swap3A_92 = arith.index_cast %scan3A_74 : i32 to index
        %swap3A_93 = arith.constant 0 : index
        %swap3A_94 = vector.load %arg3[%swap3A_92, %swap3A_93] : memref<56x1xi32, #tpu.memory_space<vmem>>, vector<1x1xi32>
        tpu.vector_store %arg3[%swap3A_92, %swap3A_93], %broadcast_in_dim3A_91 {strides = array<i32>} : memref<56x1xi32, #tpu.memory_space<vmem>>, vector<1x1xi32>,
        %mul3A_95 = arith.mulf %scan3A_75, %div3A_60 : vector<1x1xf32>
        %broadcast_in_dim3A_96 = vector.shape_cast %mul3A_95 : vector<1x1xf32> to vector<1x1xf32>
        %broadcast_in_dim3A_97 = vector.broadcast %broadcast_in_dim3A_96 : vector<1x1xf32> to vector<1x16xf32>
        %swap3A_98 = arith.index_cast %scan3A_74 : i32 to index
        %swap3A_99 = arith.constant 0 : index
        %swap3A_100 = vector.load %arg4[%swap3A_98, %swap3A_99] : memref<56x16xf32, #tpu.memory_space<vmem>>, vector<1x16xf32>
        tpu.vector_store %arg4[%swap3A_98, %swap3A_99], %broadcast_in_dim3A_97 {strides = array<i32>} : memref<56x16xf32, #tpu.memory_space<vmem>>, vector<1x16xf32>,
        %eq3A_101 = vector.broadcast %broadcast_in_dim3A_91 : vector<1x1xi32> to vector<25x4096xi32>
        %eq3A_102 = arith.cmpi eq, %get3A_81, %eq3A_101 : vector<25x4096xi32>
        %jit3A_103 = arith.constant -1.000000e+00 : f32
        %broadcast_in_dim3A_104 = vector.broadcast %jit3A_103 : f32 to vector<25x4096xf32>
        %select_n3A_105 = arith.select %eq3A_102, %broadcast_in_dim3A_104, %get3A_78 : vector<25x4096xi1>, vector<25x4096xf32>
        %swap3A_106 = arith.constant 0 : index
        %swap3A_107 = arith.constant 0 : index
        %swap3A_108 = vector.load %arg6[%swap3A_106, %swap3A_107] : memref<25x4096xf32, #tpu.memory_space<vmem>>, vector<25x4096xf32>
        tpu.vector_store %arg6[%swap3A_106, %swap3A_107], %select_n3A_105 {strides = array<i32>} : memref<25x4096xf32, #tpu.memory_space<vmem>>, vector<25x4096xf32>,
        %reduce_max3A_109 = vector.shape_cast %select_n3A_105 : vector<25x4096xf32> to vector<1x25x4096xf32>
        %reduce_max3A_110 = arith.constant dense<0xFF800000> : vector<1xf32>
        %reduce_max3A_111 = vector.multi_reduction <maximumf>, %reduce_max3A_109, %reduce_max3A_110 [1, 2] : vector<1x25x4096xf32> to vector<1xf32>
        %reduce_max3A_112 = vector.shape_cast %reduce_max3A_111 : vector<1xf32> to vector<1x1x1xf32>
        %reduce_max3A_113 = vector.extract %reduce_max3A_112[0, 0, 0] : f32 from vector<1x1x1xf32>
        %broadcast_in_dim3A_114 = vector.broadcast %reduce_max3A_113 : f32 to vector<1x1xf32>
        scf.yield %broadcast_in_dim3A_114 : vector<1x1xf32>
      }
      %scan3A_73 = arith.constant 50 : i32
    } else {
    }
    return
  }
  func.func @transform_0(%arg0: i32) -> (i32, i32) {
    %c0_i32 = arith.constant 0 : i32
    %c0_i32_0 = arith.constant 0 : i32
    %c0_i32_1 = arith.constant 0 : i32
    return %c0_i32, %c0_i32_0 : i32, i32
  }
  func.func @transform_1(%arg0: i32) -> (i32, i32) {
    %c0_i32 = arith.constant 0 : i32
    %c0_i32_0 = arith.constant 0 : i32
    return %arg0, %c0_i32 : i32, i32
  }
  func.func @transform_2(%arg0: i32) -> (i32, i32) {
    %c0_i32 = arith.constant 0 : i32
    %c0_i32_0 = arith.constant 0 : i32
    %c0_i32_1 = arith.constant 0 : i32
    return %c0_i32, %c0_i32_0 : i32, i32
  }
  func.func @transform_3(%arg0: i32) -> (i32, i32) {
    %c0_i32 = arith.constant 0 : i32
    %c0_i32_0 = arith.constant 0 : i32
    %c0_i32_1 = arith.constant 0 : i32
    return %c0_i32, %c0_i32_0 : i32, i32
  }
}

</mosaic_0001>

<sc_bundles>
// kernel: kernel.4.cloned.1.call-start
scs
__scs_entry_jumppad:
0x0: {  	(pc) =	sbr.rel $0x88, $3  }
0x1: {  	(tag) =	ssettag $0x0;
	lr =	simm.s32 $0x1  }
0x2: {  	[smem:$0x3F9E] =	sst lr;
	_ =	strace $0xD0000000  }
0x3: {  	_ = 	snop  }
0x4: {  	_ = 	snop  }
0x5: {  	_ = 	snop  }
0x6: {  	_ = 	snop  }
0x7: {  	_ = 	snop  }
__scs_overlays_trampoline_lowered:
0x8: {  	[smem:$0x3FAD] =	sst s0  }
0x9: {  	[smem:$0x3FAE] =	sst s1  }
0xa: {  	[smem:$0x3FAF] =	sst s2  }
0xb: {  	[smem:$0x3FB0] =	sst s3  }
0xc: {  	[smem:$0x3FB1] =	sst s4  }
0xd: {  	[smem:$0x3FB2] =	sst s5  }
0xe: {  	[smem:$0x3FB3] =	sst s6  }
0xf: {  	[smem:$0x3FB4] =	sst s7  }
0x10: {  	[smem:$0x3FB5] =	sst s8  }
0x11: {  	[smem:$0x3FB6] =	sst s9;
	s0 =	simm.s32 @!p0 $0x0  }
0x12: {  	s1 =	sld [smem:$0x3F9C];
	s0 =	simm.s32 @p0 $0x1  }
0x13: {  	[smem:$0x3FB7] =	sst s0;
	s0 =	simm.s32 @!p1 $0x0  }
0x14: {  	s2 =	sld [smem:$0x3F9B];
	s0 =	simm.s32 @p1 $0x1  }
0x15: {  	[smem:$0x3FB8] =	sst s0;
	s0 =	simm.s32 @!p2 $0x0  }
0x16: {  	s3 =	sld [smem:$0x3FDB];
	s0 =	simm.s32 @p2 $0x1  }
0x17: {  	s4 =	simm.s32 $0x1BF5;
	[smem:$0x3FBA] =	sst s0  }
0x18: {  	s0 =	sld [smem:$0x3F9D];
	_ =	swait.ge [sflag:s4], $0x0  }
0x19: {  	s7 =	sld [smem:$0x3F9E]  }
0x1a: {  	s8 =	sadd.s32 $0xFFFFE003, lr  }
0x1b: {  	s9 =	sadd.s32 $0xFFFFFEF7, lr;
	s5 =	simm.s32 $0xFFFFFFFF;
	p2 =	slt.u32 s8, $0xFFFFF086  }
0x1c: {  	p1 =	slt.u32 s9, $0xF7A;
	s5 =	simm.s32 @!p2 $0x0  }
0x1d: {  	s5 =	simm.s32 @p1 $0x1;
	p0 =	seq.s32 s7, s2  }
0x1e: {  	s7 =	smul.u32 @!p0 $0xF7A, s2;
	p2 =	seq.s32 @!p0 s5, $0x0  }
0x1f: {  	s9 =	smul.u32 $0xF7A, s1;
	s8 =	simm.s32 @!p0 $0x1BF5;
	p2 =	por !p2, p0  }
0x20: {  	[sflag:s8] =	ssyncset.s32 @!p0 $0xFFFFF086;
	s6 =	sadd.s32 @!p0 s3, s7;
	s7 =	simm.s32 @!p0 $0x108  }
0x21: {  	s3 =	sadd.s32 s3, s9;
	s6 =	sadd.s32 @!p0 $0x88, s6;
	s7 =	simm.s32 @p2 $0x1082  }
0x22: {  	[simem:s7], [sflag:s8] =	dma.local @!p0 [hbm:s6], $0xF7A  }
0x23: {  	s9 =	sor.u32 $0xD0000000, s2;
	s6 =	simm.s32 $0x108;
	_ =	swait.ge @!p0 [sflag:s8], $0x0  }
0x24: {  	s3 =	sadd.s32 $0x88, s3;
	s6 =	simm.s32 @!p1 $0x1082;
	[sflag:s4] =	ssyncset.s32 $0xFFFFF086  }
0x25: {  	[simem:s6], [sflag:s4] =	dma.local [hbm:s3], $0xF7A  }
0x26: {  	[smem:$0x3F9E] =	sst s1;
	(tag) =	ssettag s2;
	_ =	strace s9  }
0x27: {  	s1 =	sld [smem:$0x3FAE]  }
0x28: {  	s2 =	sld [smem:$0x3FAF]  }
0x29: {  	s4 =	sld [smem:$0x3FB1]  }
0x2a: {  	p0 =	seq.s32 s5, $0x0;
	s5 =	sld [smem:$0x3FB2]  }
0x2b: {  	s6 =	sld [smem:$0x3FB3]  }
0x2c: {  	s7 =	sld [smem:$0x3FB4]  }
0x2d: {  	s3 =	simm.s32 $0x108;
	s8 =	sld [smem:$0x3FB5]  }
0x2e: {  	s3 =	simm.s32 @!p0 $0x1082;
	s9 =	sld [smem:$0x3FB6]  }
0x2f: {  	lr =	sadd.s32 s0, s3;
	s0 =	sld [smem:$0x3FAD]  }
0x30: {  	s3 =	sld [smem:$0x3FB0]  }
0x31: {  	[smem:$0x3FB9] =	sst s10  }
0x32: {  	s10 =	sld [smem:$0x3FB7];
	_ =	sdelay $0x3  }
0x33: {  	p0 =	seq.s32 s10, $0x1;
	s10 =	sld [smem:$0x3FB9];
	_ =	sdelay $0x3  }
0x34: {  	[smem:$0x3FB9] =	sst s10  }
0x35: {  	s10 =	sld [smem:$0x3FB8];
	_ =	sdelay $0x3  }
0x36: {  	p1 =	seq.s32 s10, $0x1;
	s10 =	sld [smem:$0x3FB9];
	_ =	sdelay $0x3  }
0x37: {  	[smem:$0x3FB9] =	sst s10  }
0x38: {  	s10 =	sld [smem:$0x3FBA]  }
0x39: {  	_ = 	snop;
	(pc) =	sbr.ind lr, $3  }
0x3a: {  	_ = 	snop  }
0x3b: {  	_ = 	snop  }
0x3c: {  	p2 =	seq.s32 s10, $0x1;
	s10 =	sld [smem:$0x3FB9]  }
0x3d: {  	_ =	shalt  }
0x3e: {  	_ =	shalt  }
0x3f: {  	_ =	shalt  }
0x40: {  	_ =	shalt  }
0x41: {  	_ =	shalt  }
0x42: {  	_ =	shalt  }
0x43: {  	_ =	shalt  }
0x44: {  	_ =	shalt  }
0x45: {  	_ =	shalt  }
0x46: {  	_ =	shalt  }
0x47: {  	_ =	shalt  }
0x48: {  	_ =	shalt  }
0x49: {  	_ =	shalt  }
0x4a: {  	_ =	shalt  }
0x4b: {  	_ =	shalt  }
0x4c: {  	_ =	shalt  }
0x4d: {  	_ =	shalt  }
0x4e: {  	_ =	shalt  }
0x4f: {  	_ =	shalt  }
0x50: {  	_ =	shalt  }
0x51: {  	_ =	shalt  }
0x52: {  	_ =	shalt  }
0x53: {  	_ =	shalt  }
0x54: {  	_ =	shalt  }
0x55: {  	_ =	shalt  }
0x56: {  	_ =	shalt  }
0x57: {  	_ =	shalt  }
0x58: {  	_ =	shalt  }
0x59: {  	_ =	shalt  }
0x5a: {  	_ =	shalt  }
0x5b: {  	_ =	shalt  }
0x5c: {  	_ =	shalt  }
0x5d: {  	_ =	shalt  }
0x5e: {  	_ =	shalt  }
0x5f: {  	_ =	shalt  }
0x60: {  	_ =	shalt  }
0x61: {  	_ =	shalt  }
0x62: {  	_ =	shalt  }
0x63: {  	_ =	shalt  }
0x64: {  	_ =	shalt  }
0x65: {  	_ =	shalt  }
0x66: {  	_ =	shalt  }
0x67: {  	_ =	shalt  }
0x68: {  	_ =	shalt  }
0x69: {  	_ =	shalt  }
0x6a: {  	_ =	shalt  }
0x6b: {  	_ =	shalt  }
0x6c: {  	_ =	shalt  }
0x6d: {  	_ =	shalt  }
0x6e: {  	_ =	shalt  }
0x6f: {  	_ =	shalt  }
0x70: {  	_ =	shalt  }
0x71: {  	_ =	shalt  }
0x72: {  	_ =	shalt  }
0x73: {  	_ =	shalt  }
0x74: {  	_ =	shalt  }
0x75: {  	_ =	shalt  }
0x76: {  	_ =	shalt  }
0x77: {  	_ =	shalt  }
0x78: {  	_ =	shalt  }
0x79: {  	_ =	shalt  }
0x7a: {  	_ =	shalt  }
0x7b: {  	_ =	shalt  }
0x7c: {  	_ =	shalt  }
0x7d: {  	_ =	shalt  }
0x7e: {  	_ =	shalt  }
0x7f: {  	_ =	shalt  }
0x80: {  	_ =	shalt  }
0x81: {  	_ =	shalt  }
0x82: {  	_ =	shalt  }
0x83: {  	_ =	shalt  }
0x84: {  	_ =	shalt  }
0x85: {  	_ =	shalt  }
0x86: {  	_ =	shalt  }
0x87: {  	_ =	shalt  }
.Lfunc_end0:
.L_simem_size_0:
called_computation_lowered:
.L_overlay_start_0:
0x88: {  	s0 =	sld [smem:$0x3FD9]  }
0x89: {  	s1 =	sld [smem:$0x3FFE];
	_ =	sdelay $0x3  }
0x8a: {  	s0 =	sadd.s32 s1, s0  }
0x8b: {  	[smem:$0x3FC5] =	sst s0  }
0x8c: {  	_ = 	snop  }
0x8d: {  	s0 =	sld [smem:$0x3FC7]  }
0x8e: {  	s16 =	sld [smem:$0x3FD0];
	(tm) =	ssettm $0x1  }
0x8f: {  	s2 =	sld [smem:$0x3FFB];
	_ =	sdelay $0x3  }
0x90: {  	_ =	strace s2  }
0x91: {  	s2 =	sld [smem:$0x3FFC];
	_ =	sdelay $0x3  }
0x92: {  	_ =	strace s2  }
0x93: {  	s2 =	sld [smem:$0x3FFD];
	_ =	sdelay $0x3  }
0x94: {  	_ =	strace s2  }
0x95: {  	_ =	strace $0x8FFFFFFF  }
0x96: {  	s17 =	sld [smem:$0x3FDB];
	_ =	sdelay $0x1  }
0x97: {  	s3 =	simm.s32 $_scs_section_size  }
0x98: {  	s4 =	simm.s32 $_size__tile_overlayer_lowered;
	s5 =	simm.s32 $_tile_overlayer_lowered  }
0x99: {  	s20 =	simm.s32 $0x1BFF;
	s19 =	sshll.u32 s5, $0x1;
	s2 =	sadd.s32 s3, s17  }
0x9a: {  	s6 =	simm.s32 $0x0;
	s18 =	sshll.u32 s4, $0x1;
	s4 =	sadd.s32 s19, s2  }
0x9b: {  	[timem:s6], [sflag:s20] =	dma.local [hbm:s4], s18  }
0x9c: {  	_ =	swait.ge [sflag:s20], s18  }
0x9d: {  	s3 =	ssub.s32 $0x0, s18;
	[sflag:s20] =	ssyncset.done $0x0  }
0x9e: {  	[sflag:s20] =	ssyncadd.s32 s3;
	_ =	sdelay $0x1  }
0x9f: {  	s21 =	simm.s32 $0x1B8B  }
0xa0: {  	_ =	swait.ge [sflag:s21], $0x1  }
0xa1: {  	[sflag:s21] =	ssyncset.done $0x0  }
0xa2: {  	s23 =	simm.s32 $0x1B8E;
	s22 =	sld [smem:$0x3FFE];
	[sflag:s21] =	ssyncadd.s32 $0xFFFFFFFF  }
0xa3: {  	s24 =	simm.s32 $execute0_lowered;
	[smem:$0x3FD2] =	sst s23  }
0xa4: {  	s4 =	sshll.u32 s24, $0x1;
	_ =	strace $0x80000046;
	[dreg:$0x1] =	wrdreg $0xFFFFFFFF  }
0xa5: {  	s25 =	simm.s32 $_size_execute0_lowered;
	s2 =	sadd.s32 s2, s4;
	[dreg:$0x0] =	wrdreg $0x0  }
0xa6: {  	s4 =	sshll.u32 s25, $0x1;
	[dreg:$0x2] =	wrdreg s2  }
0xa7: {  	[dreg:$0x3] =	wrdreg s4  }
0xa8: {  	[dreg:$0x4] =	wrdreg $0xC0  }
0xa9: {  	_ =	task [dreg:s6], $0x5FFFF  }
0xaa: {  	[dreg:$0x1] =	wrdreg $0xFFFFFFFF  }
0xab: {  	[dreg:$0x0] =	wrdreg $0x60  }
0xac: {  	[dreg:$0x2] =	wrdreg s0  }
0xad: {  	[dreg:$0x3] =	wrdreg s22  }
0xae: {  	[dreg:$0x4] =	wrdreg s16  }
0xaf: {  	[dreg:$0x5] =	wrdreg $0x9  }
0xb0: {  	_ =	task.clear_ibuf [dreg:s6], $0x6FFFF;
	_ =	strace $0x90000046  }
0xb1: {  	s26 =	simm.s32 $0x9;
	_ =	strace $0x80000048  }
0xb2: {  	_ =	swait.ge [sflag:s26], $0x1  }
0xb3: {  	[sflag:s26] =	ssyncadd.s32 $0xFFFFFFFF  }
0xb4: {  	_ =	strace $0x90000048  }
0xb5: {  	_ =	sfence  }
0xb6: {  	s28 =	sld [smem:$0x0];
	_ =	sdelay $0x1  }
0xb7: {  	s29 =	srdreg.scid  }
0xb8: {  	s30 =	sshll.u32 s29, $0xD;
	s31 =	sshrl.u32 s29, $0x2  }
0xb9: {  	s1 =	sand.u32 $0x1, s29;
	s2 =	sand.u32 $0x4000, s30;
	s0 =	sadd.s32 s31, s28  }
0xba: {  	s1 =	sor.u32 s2, s1;
	s0 =	sshll.u32 s0, $0x11  }
0xbb: {  	s0 =	sor.u32 s0, s1  }
0xbc: {  	s0 =	sadd.s32 $0x8F2B, s0  }
0xbd: {  	[sflag:s0] =	ssyncadd.remote.s32 $0x1  }
0xbe: {  	_ =	sfence.sel $0xFFFF  }
0xbf: {  	[dreg:$0x0] =	wrdreg $0xFFFFFFFF;
	(pc) =	sbr.abs _section_cstart, $3  }
0xc0: {  	[dreg:$0x1] =	wrdreg $0xFFFFFFFF  }
0xc1: {  	_ =	task.clear_ibuf [dreg:s6], $0x2FFFF;
	_ =	strace $0x9FFFFFFF  }
0xc2: {  	(tm) =	ssettm $0x7FFFFFFF  }
0xc3: {  	_ =	shalt  }
tec
execute0_lowered:
.L_overlay_start_1:
0x0: {  	(tag) =	ssettag $0x1  }
0x1: {  	s4 =	rddreg [dreg:$0x0]  }
0x2: {  	s5 =	rddreg [dreg:$0x1]  }
0x3: {  	s1 =	rddreg [dreg:$0x2]  }
0x4: {  	s0 =	rddreg [dreg:$0x3];
	s3 =	simm.s32 $0x0  }
0x5: {  	[smem:$0x7FF] =	sst s3  }
0x6: {  	s2 =	simm.s32 $0x3880;
	s6 =	sadd.s32 $0x600, s5;
	_ =	strace $0x80000047  }
0x7: {  	[tilespmem:s2], [sflag:$0x2] =	stream.linear.gather [hbm4b:s6+s3], $0x1C00, $0x38;
	[tilespmem:$0x5500] =	vst v63  }
0x8: {  	s18 =	simm.s32 $0x3;
	s5 =	sadd.s32 $0xA00, s5  }
0x9: {  	[tilespmem:s3], [sflag:$0x3] =	stream.linear.gather [hbm4b:s5+s3], $0x80, $0x38;
	[tilespmem:$0x5500] =	vst v63  }
0xa: {  	_ =	swait.ge [sflag:s18], $0x80  }
0xb: {  	[sflag:s18] =	ssyncset.done $0x0  }
0xc: {  	[sflag:s18] =	ssyncadd.s32 $0xFFFFFF80  }
0xd: {  	v0 =	vld [tilespmem:$0x0];
	_ =	sdelay $0x4  }
0xe: {  	v1 =	vshll.u32 v0, $0x1  }
0xf: {  	v2 =	vlaneseq.u32;
	v0 =	vand.u32 $0x7, v0;
	v1 =	vand.u32 $0xFFFFFFF0, v1  }
0x10: {  	v3 =	vshrl.u32 v2, $0x3;
	v0 =	vor.u32 v0, v1;
	v1 =	vand.u32 $0x7, v2  }
0x11: {  	v3 =	vmul.u32 $0x8, v3;
	v4 =	vperm.xlane v0, v1  }
0x12: {  	v2 =	vor.u32 $0x8, v2  }
0x13: {  	v0 =	vperm.xlane v0, v2;
	v4 =	vadd.s32 v3, v4;
	_ =	sdelay $0x1  }
0x14: {  	v0 =	vadd.s32 v3, v0;
	_ =	sdelay $0x1  }
0x15: {  	vm0 =	vmmov $0xffff;
	s19 =	simm.s32 $0x80  }
0x16: {  	[tilespmem:s19], [sflag:$0x1] =	stream.indirect_vreg.gather [hbm4b:s4+s3], $0x80, v4, vm0, $0xb8;
	[tilespmem:$0x5500] =	vst v63  }
0x17: {  	s20 =	simm.s32 $0x880  }
0x18: {  	[tilespmem:s20], [sflag:$0x1] =	stream.indirect_vreg.gather [hbm4b:s4+s3], $0x80, v0, vm0, $0xb8;
	[tilespmem:$0x5500] =	vst v63  }
0x19: {  	v0 =	vld [tilespmem:$0x10];
	_ =	sdelay $0x4  }
0x1a: {  	v62 =	vshll.u32 v0, $0x1  }
0x1b: {  	v0 =	vand.u32 $0x7, v0;
	v4 =	vand.u32 $0xFFFFFFF0, v62  }
0x1c: {  	v0 =	vor.u32 v0, v4  }
0x1d: {  	v4 =	vperm.xlane v0, v1;
	_ =	sdelay $0x1  }
0x1e: {  	v0 =	vperm.xlane v0, v2;
	v4 =	vadd.s32 v3, v4;
	_ =	sdelay $0x1  }
0x1f: {  	v0 =	vadd.s32 v3, v0;
	_ =	sdelay $0x1  }
0x20: {  	s21 =	simm.s32 $0x1080  }
0x21: {  	[tilespmem:s21], [sflag:$0x1] =	stream.indirect_vreg.gather [hbm4b:s4+s3], $0x80, v4, vm0, $0xb8;
	[tilespmem:$0x5500] =	vst v63  }
0x22: {  	s22 =	simm.s32 $0x1880  }
0x23: {  	[tilespmem:s22], [sflag:$0x1] =	stream.indirect_vreg.gather [hbm4b:s4+s3], $0x80, v0, vm0, $0xb8;
	[tilespmem:$0x5500] =	vst v63  }
0x24: {  	v0 =	vld [tilespmem:$0x20];
	_ =	sdelay $0x4  }
0x25: {  	v63 =	vshll.u32 v0, $0x1  }
0x26: {  	v0 =	vand.u32 $0x7, v0;
	v4 =	vand.u32 $0xFFFFFFF0, v63  }
0x27: {  	v0 =	vor.u32 v0, v4  }
0x28: {  	v4 =	vperm.xlane v0, v1;
	_ =	sdelay $0x1  }
0x29: {  	v0 =	vperm.xlane v0, v2;
	v4 =	vadd.s32 v3, v4;
	_ =	sdelay $0x1  }
0x2a: {  	v0 =	vadd.s32 v3, v0;
	_ =	sdelay $0x1  }
0x2b: {  	s23 =	simm.s32 $0x2080  }
0x2c: {  	[tilespmem:s23], [sflag:$0x1] =	stream.indirect_vreg.gather [hbm4b:s4+s3], $0x80, v4, vm0, $0xb8;
	[tilespmem:$0x5500] =	vst v63  }
0x2d: {  	s24 =	simm.s32 $0x2880  }
0x2e: {  	[tilespmem:s24], [sflag:$0x1] =	stream.indirect_vreg.gather [hbm4b:s4+s3], $0x80, v0, vm0, $0xb8;
	[tilespmem:$0x5500] =	vst v63  }
0x2f: {  	v0 =	vld.msk [tilespmem:$0x30], $0xff;
	_ =	sdelay $0x4  }
0x30: {  	v2 =	vshll.u32 v0, $0x1  }
0x31: {  	v0 =	vand.u32 $0x7, v0;
	v2 =	vand.u32 $0xFFFFFFF0, v2  }
0x32: {  	v0 =	vor.u32 v0, v2  }
0x33: {  	v0 =	vperm.xlane v0, v1;
	_ =	sdelay $0x1  }
0x34: {  	v0 =	vadd.s32 v3, v0;
	_ =	sdelay $0x3  }
0x35: {  	s25 =	simm.s32 $0x3080  }
0x36: {  	[tilespmem:s25], [sflag:$0x1] =	stream.indirect_vreg.gather [hbm4b:s4+s3], $0x80, v0, vm0, $0xb8;
	[tilespmem:$0x5500] =	vst v63  }
0x37: {  	s26 =	simm.s32 $0x1;
	s4 =	stileid.u32  }
0x38: {  	s28 =	sshll.u32 s4, $0x4;
	_ =	swait.ge [sflag:s26], $0x3800  }
0x39: {  	s6 =	sand.u32 $0x70, s28;
	[sflag:s26] =	ssyncset.done $0x0  }
0x3a: {  	s8 =	simm.s32 $0x2;
	s7 =	sshll.u32 s4, $0x7;
	[sflag:s26] =	ssyncadd.s32 $0xFFFFC800;
	v0 =	vmov s6  }
0x3b: {  	s29 =	sand.u32 $0x400, s7;
	_ =	swait.ge [sflag:s8], $0x1C00  }
0x3c: {  	s30 =	sand.u32 $0x3800, s3;
	s5 =	sor.u32 $0x80, s29;
	[sflag:s8] =	ssyncset.done $0x0  }
0x3d: {  	v1 =	vimm.f32 $0.0e+00;
	s3 =	sand.u32 $0x380, s3;
	s6 =	sor.u32 s30, s5;
	[sflag:s8] =	ssyncadd.s32 $0xFFFFE400  }
0x3e: {  	s3 =	sadd.s32 s3, s6;
	[tilespmem:$0x5480] =	vst v1  }
0x3f: {  	v2 =	vld.idx.msk [tilespmem:v0+s3+$0x0 ss:$0x1], $0xffff  }
0x40: {  	v3 =	vld [tilespmem:s2+$0x0];
	_ =	sdelay $0x4  }
0x41: {  	v2 =	vmul.f32 v3, v2  }
0x42: {  	s31 =	simm.s32 $0x100  }
0x43: {  	s7 =	sand.u32 $0x3800, s31;
	s6 =	simm.s32 $0x80;
	s3 =	simm.s32 $0x200;
	v1 =	vadd.f32 v2, v1  }
.LBB2_1:
0x44: {  	p0 =	sne.s32 s3, $0x3700;
	s8 =	sand.u32 $0x380, s6;
	s7 =	sor.u32 s7, s5  }
0x45: {  	s7 =	sadd.s32 s8, s7;
	[tilespmem:$0x5480] =	vst v1  }
0x46: {  	s2 =	sadd.s32 $0x80, s2;
	v2 =	vld.idx.msk [tilespmem:v0+s7+$0x0 ss:$0x1], $0xffff  }
0x47: {  	v3 =	vld [tilespmem:s2+$0x0];
	_ =	sdelay $0x2  }
.Ltmp0:
0x48: {  	(pc) =	sbr.rel @p0 .LBB2_1-.Ltmp0, $3  }
0x49: {  	_ = 	snop  }
0x4a: {  	v2 =	vmul.f32 v3, v2;
	_ =	sdelay $0x1  }
0x4b: {  	s6 =	sadd.s32 $0x80, s6;
	s7 =	sand.u32 $0x3800, s3;
	s3 =	sadd.s32 $0x100, s3;
	v1 =	vadd.f32 v2, v1  }
0x4c: {  	_ =	sdelay $0x1  }
0x4d: {  	s3 =	sand.u32 $0x380, s6;
	s5 =	sor.u32 s7, s5  }
0x4e: {  	s3 =	sadd.s32 s3, s5;
	[tilespmem:$0x5480] =	vst v1  }
0x4f: {  	s2 =	sadd.s32 $0x80, s2;
	v0 =	vld.idx.msk [tilespmem:v0+s3+$0x0 ss:$0x1], $0xffff  }
0x50: {  	v2 =	vld [tilespmem:s2+$0x0];
	_ =	sdelay $0x4  }
0x51: {  	v0 =	vmul.f32 v2, v0;
	_ =	sdelay $0x1  }
0x52: {  	v0 =	vadd.f32 v0, v1  }
0x53: {  	s28 =	sshll.u32 s4, $0x1;
	s29 =	simm.s32 $0x0  }
0x54: {  	s30 =	simm.s32 $0x5480;
	s31 =	simm.s32 $0x3;
	s1 =	sadd.s32 s1, s28;
	[tilespmem:$0x5480] =	vst v0  }
0x55: {  	[hbm4b:s1+s29] =	stream.linear.scatter [tilespmem:s30], [sflag:$0x3], $0x10, $0x38;
	[tilespmem:$0x5500] =	vst v63  }
0x56: {  	_ =	swait.ge [sflag:s31], $0x10  }
0x57: {  	[sflag:s31] =	ssyncset.done $0x0  }
0x58: {  	[sflag:s31] =	ssyncadd.s32 $0xFFFFFFF0  }
0x59: {  	_ =	sfence.sel $0x180000  }
0x5a: {  	[bflag:$0x0] =	sbarrier.arrive $0xFFFF  }
0x5b: {  	p0 =	sne.s32 s4, $0x0;
	_ =	strace $0x90000047  }
0x5c: {  	s0 =	sadd.s32 @!p0 $0x100000, s0;
	[bflag:$0x2] =	sbarrier.arrive $0xFFFF  }
0x5d: {  	[sflag:s0] =	ssyncadd.tile.s32 @!p0 $0x1;
	_ =	shalt  }
.Lfunc_end2:
_tile_overlayer_lowered:
.L_overlay_start_2:
0x5e: {  	(tag) =	ssettag $0x2  }
0x5f: {  	s0 =	rddreg [dreg:$0x0];
	s2 =	stileid.u32  }
0x60: {  	s1 =	rddreg [dreg:$0x1];
	p0 =	sne.s32 s2, $0x0  }
0x61: {  	s3 =	rddreg [dreg:$0x2];
	[bflag:$0x3] =	sbarrier.arrive $0xFFFF;
	s2 =	simm.s32 @!p0 $0x1C03  }
0x62: {  	[timem:s3], [sflag:s2] =	dma.local @!p0 [hbm:s0], s1  }
0x63: {  	s0 =	simm.s32 @!p0 $0x3  }
0x64: {  	_ =	swait.ge @!p0 [sflag:s0], s1  }
0x65: {  	s1 =	ssub.s32 @!p0 $0x0, s1;
	[sflag:s0] =	ssyncset.done @!p0 $0x0  }
0x66: {  	[sflag:s0] =	ssyncadd.s32 @!p0 s1  }
0x67: {  	[bflag:$0x3] =	sbarrier.arrive $0xFFFF  }
0x68: {  	_ =	shalt  }

</sc_bundles>
